<compile_context>
chip_gen: v7x
topology: tpu7x:2x2x1
jax: 0.10.2.dev20260603
libtpu: 0.0.44.dev20260713+nightly
codegen_flags: <defaults>
</compile_context>

<pallas_src>
import functools

import jax
import jax.numpy as jnp
from jax import lax
from jax.experimental import pallas as pl
from jax.experimental.pallas import tpu as pltpu
from jax.experimental.pallas import tpu_sc as plsc

EMBED = 64
NC = 2
NS = 16
NW = NC * NS
CHUNK = 128


@functools.lru_cache(maxsize=None)
def _make_lookup(B_total, n_chunk_w):
    mesh = plsc.VectorSubcoreMesh(core_axis_name="c", subcore_axis_name="s")

    @functools.partial(
        pl.kernel,
        mesh=mesh,
        out_type=jax.ShapeDtypeStruct((B_total, EMBED), jnp.float32),
        scratch_types=[
            pltpu.VMEM((n_chunk_w, CHUNK), jnp.int32),
            pltpu.VMEM((CHUNK, EMBED), jnp.float32),
            pltpu.SemaphoreType.DMA,
        ],
        compiler_params=pltpu.CompilerParams(use_tc_tiling_on_sc=False),
    )
    def lookup(idx_hbm, table_hbm, out_hbm, idx_v, rows_v, sem):
        wid = lax.axis_index("s") * NC + lax.axis_index("c")
        pltpu.sync_copy(idx_hbm.at[wid], idx_v)
        base = wid * (n_chunk_w * CHUNK)

        def body(j, carry):
            pltpu.async_copy(table_hbm.at[idx_v.at[j]], rows_v, sem).wait()
            pltpu.sync_copy(rows_v, out_hbm.at[pl.ds(base + j * CHUNK, CHUNK)])
            return carry

        lax.fori_loop(0, n_chunk_w, body, 0)

    return lookup


def kernel(input_ids, attention_mask, table):
    B, S = input_ids.shape
    B_total = B * S
    n_chunk_w = B_total // (NW * CHUNK)
    idx = input_ids.reshape(NW, n_chunk_w, CHUNK).astype(jnp.int32)
    out = _make_lookup(B_total, n_chunk_w)(idx, table)
    return out.reshape(B, S, EMBED), attention_mask

# --- scband reference (transcript-rebuilt; emitter-appended) ---
"""Pipeline reference for scband-word-embedding-31653908972061 (READ-ONLY COPY).

The authoritative reference and input builder live on the scoring server;
editing this copy changes nothing except your own understanding.
"""

import jax, jax.numpy as jnp
import numpy as np

VOCAB_SIZE = 30522  # bert-base-uncased tokenizer vocab size
D_MODEL = 128       # max_length / padded sequence length
EMBED_DIM = 64
BATCH = 4096


def setup_inputs(seed: int = 0) -> dict:
    key = jax.random.key(seed)
    k1, k2 = jax.random.split(key)
    input_ids = jax.random.randint(k1, (BATCH, D_MODEL), 0, VOCAB_SIZE, dtype=jnp.int64 if jax.config.jax_enable_x64 else jnp.int32)
    attention_mask = jnp.ones((BATCH, D_MODEL), dtype=jnp.int32)
    # Embedding table param, sized per init_kwargs (vocab fixed by BERT tokenizer)
    table = jax.random.normal(k2, (VOCAB_SIZE, EMBED_DIM), dtype=jnp.float32) * 0.02
    return {"input_ids": input_ids, "attention_mask": attention_mask, "table": table}


def reference(input_ids, attention_mask, table):
    # Faithful to WordEmbedding.call: tokenization is pre-materialized as
    # padded input_ids + attention_mask; the layer body is an embedding lookup.
    vector_matrix = jnp.take(table, input_ids, axis=0)  # [B, d_model, embed_dim]
    return (vector_matrix, attention_mask)

if __name__ == "__main__":
    import jax
    _d = setup_inputs()
    print(jax.jit(kernel)(*tuple(_d.values())))

</pallas_src>

<mosaic_0001>
#map = affine_map<(d0, d1) -> (0, 0, 0)>
#map1 = affine_map<(d0, d1) -> (0, 0)>
module attributes {stable_mosaic.version = 14 : i64} {
  func.func @lookup(%arg0: i32, %arg1: i32, %arg2: memref<32x128x128xi32, #tpu.memory_space<hbm>>, %arg3: memref<30522x64xf32, #tpu.memory_space<hbm>>, %arg4: memref<524288x64xf32, #tpu.memory_space<hbm>>, %arg5: memref<128x128xi32, #tpu.memory_space<vmem>>, %arg6: memref<128x64xf32, #tpu.memory_space<vmem>>, %arg7: memref<!tpu.dma_semaphore, #tpu.memory_space<semaphore_mem>>) attributes {dimension_semantics = [#tpu.dimension_semantics<core_parallel>, #tpu.dimension_semantics<subcore_parallel>], iteration_bounds = array<i64: 2, 16>, scalar_prefetch = 0 : i64, scratch_operands = 3 : i64, tpu.core_type = #tpu.core_type<sc_vector_subcore>, window_params = [{transform_indices = #map}, {transform_indices = #map1}, {transform_indices = #map1}]} {
    %mul3A = arith.constant 2 : i32
    %mul3A_0 = arith.muli %arg1, %mul3A : i32
    %add3A = arith.addi %mul3A_0, %arg0 : i32
    "tpu.region"() ({
      %run_scoped3A = tpu.sem_alloc : memref<!tpu.dma_semaphore, #tpu.memory_space<semaphore_mem>>
      %dma_start3A = arith.constant 0 : i32
      %dma_start3A_8 = arith.constant 0 : i32
      %dma_start3A_9 = tpu.memref_slice %arg2[%add3A, %dma_start3A, %dma_start3A_8] : memref<32x128x128xi32, #tpu.memory_space<hbm>> -> memref<1x128x128xi32, #tpu.memory_space<hbm>>
      %dma_start3A_10 = tpu.memref_squeeze %dma_start3A_9 : memref<1x128x128xi32, #tpu.memory_space<hbm>> -> memref<128x128xi32, #tpu.memory_space<hbm>>
      %dma_start3A_11 = arith.constant 0 : i32
      %dma_start3A_12 = arith.constant 0 : i32
      %dma_start3A_13 = tpu.memref_slice %arg2[%add3A, %dma_start3A_11, %dma_start3A_12] : memref<32x128x128xi32, #tpu.memory_space<hbm>> -> memref<1x128x128xi32, #tpu.memory_space<hbm>>
      %dma_start3A_14 = tpu.memref_squeeze %dma_start3A_13 : memref<1x128x128xi32, #tpu.memory_space<hbm>> -> memref<128x128xi32, #tpu.memory_space<hbm>>
      tpu.enqueue_dma source(%dma_start3A_14 : memref<128x128xi32, #tpu.memory_space<hbm>>) target(%arg5 : memref<128x128xi32, #tpu.memory_space<vmem>>) target_semaphore(%run_scoped3A : memref<!tpu.dma_semaphore, #tpu.memory_space<semaphore_mem>>)
      %dma_wait3A = arith.constant 0 : i32
      %dma_wait3A_15 = arith.constant 0 : i32
      %dma_wait3A_16 = tpu.memref_slice %arg2[%add3A, %dma_wait3A, %dma_wait3A_15] : memref<32x128x128xi32, #tpu.memory_space<hbm>> -> memref<1x128x128xi32, #tpu.memory_space<hbm>>
      %dma_wait3A_17 = tpu.memref_squeeze %dma_wait3A_16 : memref<1x128x128xi32, #tpu.memory_space<hbm>> -> memref<128x128xi32, #tpu.memory_space<hbm>>
      %dma_wait3A_18 = arith.constant 0 : i32
      %dma_wait3A_19 = arith.constant 0 : i32
      %dma_wait3A_20 = tpu.memref_slice %arg2[%add3A, %dma_wait3A_18, %dma_wait3A_19] : memref<32x128x128xi32, #tpu.memory_space<hbm>> -> memref<1x128x128xi32, #tpu.memory_space<hbm>>
      %dma_wait3A_21 = tpu.memref_squeeze %dma_wait3A_20 : memref<1x128x128xi32, #tpu.memory_space<hbm>> -> memref<128x128xi32, #tpu.memory_space<hbm>>
      tpu.wait_dma2 semaphore(%run_scoped3A : memref<!tpu.dma_semaphore, #tpu.memory_space<semaphore_mem>>) src(%dma_wait3A_21 : memref<128x128xi32, #tpu.memory_space<hbm>>) dst(%arg5 : memref<128x128xi32, #tpu.memory_space<vmem>>)
      tpu.yield
    }) : () -> ()
    %mul3A_1 = arith.constant 16384 : i32
    %mul3A_2 = arith.muli %add3A, %mul3A_1 : i32
    %scan3A = arith.constant 0 : i32
    %scan3A_3 = arith.constant 0 : i32
    %scan3A_4 = arith.constant 128 : i32
    %scan3A_5 = arith.addi %scan3A_3, %scan3A_4 : i32
    %scan3A_6 = arith.constant 1 : i32
    scf.for %scan3A_8 = %scan3A_3 to %scan3A_5 step %scan3A_6  : i32 {
      %dma_start3A = arith.constant 0 : i32
      %dma_start3A_9 = tpu.memref_slice %arg5[%scan3A_8, %dma_start3A] : memref<128x128xi32, #tpu.memory_space<vmem>> -> memref<1x128xi32, #tpu.memory_space<vmem>>
      %dma_start3A_10 = tpu.memref_squeeze %dma_start3A_9 : memref<1x128xi32, #tpu.memory_space<vmem>> -> memref<128xi32, #tpu.memory_space<vmem>>
      %dma_start3A_11 = arith.constant 0 : i32
      %dma_start3A_12 = arith.constant 0 : i32
      %dma_start3A_13 = tpu.memref_slice %arg3[%dma_start3A_11, %dma_start3A_12] : memref<30522x64xf32, #tpu.memory_space<hbm>> -> memref<30522x64xf32, #tpu.memory_space<hbm>>
      tpu.enqueue_indirect_dma source(%dma_start3A_13 : memref<30522x64xf32, #tpu.memory_space<hbm>>) target(%arg6 : memref<128x64xf32, #tpu.memory_space<vmem>>) offsets(%dma_start3A_10 : memref<128xi32, #tpu.memory_space<vmem>>) semaphore(%arg7 : memref<!tpu.dma_semaphore, #tpu.memory_space<semaphore_mem>>)
      %dma_wait3A = arith.constant 0 : i32
      %dma_wait3A_14 = tpu.memref_slice %arg5[%scan3A_8, %dma_wait3A] : memref<128x128xi32, #tpu.memory_space<vmem>> -> memref<1x128xi32, #tpu.memory_space<vmem>>
      %dma_wait3A_15 = tpu.memref_squeeze %dma_wait3A_14 : memref<1x128xi32, #tpu.memory_space<vmem>> -> memref<128xi32, #tpu.memory_space<vmem>>
      %dma_wait3A_16 = arith.constant 0 : i32
      %dma_wait3A_17 = arith.constant 0 : i32
      %dma_wait3A_18 = tpu.memref_slice %arg3[%dma_wait3A_16, %dma_wait3A_17] : memref<30522x64xf32, #tpu.memory_space<hbm>> -> memref<30522x64xf32, #tpu.memory_space<hbm>>
      tpu.wait_indirect_dma semaphore(%arg7 : memref<!tpu.dma_semaphore, #tpu.memory_space<semaphore_mem>>) src(%dma_wait3A_18 : memref<30522x64xf32, #tpu.memory_space<hbm>>) dst(%arg6 : memref<128x64xf32, #tpu.memory_space<vmem>>)
      %mul3A_19 = arith.constant 128 : i32
      %mul3A_20 = arith.muli %scan3A_8, %mul3A_19 : i32
      %add3A_21 = arith.addi %mul3A_2, %mul3A_20 : i32
      "tpu.region"() ({
        %run_scoped3A = tpu.sem_alloc : memref<!tpu.dma_semaphore, #tpu.memory_space<semaphore_mem>>
        %dma_start3A_22 = arith.constant 0 : i32
        %dma_start3A_23 = tpu.memref_slice %arg4[%add3A_21, %dma_start3A_22] : memref<524288x64xf32, #tpu.memory_space<hbm>> -> memref<128x64xf32, #tpu.memory_space<hbm>>
        %dma_start3A_24 = arith.constant 0 : i32
        %dma_start3A_25 = tpu.memref_slice %arg4[%add3A_21, %dma_start3A_24] : memref<524288x64xf32, #tpu.memory_space<hbm>> -> memref<128x64xf32, #tpu.memory_space<hbm>>
        tpu.enqueue_dma source(%arg6 : memref<128x64xf32, #tpu.memory_space<vmem>>) target(%dma_start3A_25 : memref<128x64xf32, #tpu.memory_space<hbm>>) target_semaphore(%run_scoped3A : memref<!tpu.dma_semaphore, #tpu.memory_space<semaphore_mem>>)
        %dma_wait3A_26 = arith.constant 0 : i32
        %dma_wait3A_27 = tpu.memref_slice %arg4[%add3A_21, %dma_wait3A_26] : memref<524288x64xf32, #tpu.memory_space<hbm>> -> memref<128x64xf32, #tpu.memory_space<hbm>>
        %dma_wait3A_28 = arith.constant 0 : i32
        %dma_wait3A_29 = tpu.memref_slice %arg4[%add3A_21, %dma_wait3A_28] : memref<524288x64xf32, #tpu.memory_space<hbm>> -> memref<128x64xf32, #tpu.memory_space<hbm>>
        tpu.wait_dma2 semaphore(%run_scoped3A : memref<!tpu.dma_semaphore, #tpu.memory_space<semaphore_mem>>) src(%arg6 : memref<128x64xf32, #tpu.memory_space<vmem>>) dst(%dma_wait3A_29 : memref<128x64xf32, #tpu.memory_space<hbm>>)
        tpu.yield
      }) : () -> ()
    }
    %scan3A_7 = arith.constant 128 : i32
    return
  }
}

</mosaic_0001>

<sc_bundles>
// kernel: kernel.3.cloned.1.call-start
scs
__scs_entry_jumppad:
0x0: {  	(pc) =	sbr.rel $0x88, $3  }
0x1: {  	(tag) =	ssettag $0x0;
	lr =	simm.s32 $0x1  }
0x2: {  	[smem:$0x3F9E] =	sst lr;
	_ =	strace $0xD0000000  }
0x3: {  	_ = 	snop  }
0x4: {  	_ = 	snop  }
0x5: {  	_ = 	snop  }
0x6: {  	_ = 	snop  }
0x7: {  	_ = 	snop  }
__scs_overlays_trampoline_lowered:
0x8: {  	[smem:$0x3FAD] =	sst s0  }
0x9: {  	[smem:$0x3FAE] =	sst s1  }
0xa: {  	[smem:$0x3FAF] =	sst s2  }
0xb: {  	[smem:$0x3FB0] =	sst s3  }
0xc: {  	[smem:$0x3FB1] =	sst s4  }
0xd: {  	[smem:$0x3FB2] =	sst s5  }
0xe: {  	[smem:$0x3FB3] =	sst s6  }
0xf: {  	[smem:$0x3FB4] =	sst s7  }
0x10: {  	[smem:$0x3FB5] =	sst s8  }
0x11: {  	[smem:$0x3FB6] =	sst s9;
	s0 =	simm.s32 @!p0 $0x0  }
0x12: {  	s1 =	sld [smem:$0x3F9C];
	s0 =	simm.s32 @p0 $0x1  }
0x13: {  	[smem:$0x3FB7] =	sst s0;
	s0 =	simm.s32 @!p1 $0x0  }
0x14: {  	s2 =	sld [smem:$0x3F9B];
	s0 =	simm.s32 @p1 $0x1  }
0x15: {  	[smem:$0x3FB8] =	sst s0;
	s0 =	simm.s32 @!p2 $0x0  }
0x16: {  	s3 =	sld [smem:$0x3FDB];
	s0 =	simm.s32 @p2 $0x1  }
0x17: {  	s4 =	simm.s32 $0x1BF5;
	[smem:$0x3FBA] =	sst s0  }
0x18: {  	s0 =	sld [smem:$0x3F9D];
	_ =	swait.ge [sflag:s4], $0x0  }
0x19: {  	s7 =	sld [smem:$0x3F9E]  }
0x1a: {  	s8 =	sadd.s32 $0xFFFFE003, lr  }
0x1b: {  	s9 =	sadd.s32 $0xFFFFFEF7, lr;
	s5 =	simm.s32 $0xFFFFFFFF;
	p2 =	slt.u32 s8, $0xFFFFF086  }
0x1c: {  	p1 =	slt.u32 s9, $0xF7A;
	s5 =	simm.s32 @!p2 $0x0  }
0x1d: {  	s5 =	simm.s32 @p1 $0x1;
	p0 =	seq.s32 s7, s2  }
0x1e: {  	s7 =	smul.u32 @!p0 $0xF7A, s2;
	p2 =	seq.s32 @!p0 s5, $0x0  }
0x1f: {  	s9 =	smul.u32 $0xF7A, s1;
	s8 =	simm.s32 @!p0 $0x1BF5;
	p2 =	por !p2, p0  }
0x20: {  	[sflag:s8] =	ssyncset.s32 @!p0 $0xFFFFF086;
	s6 =	sadd.s32 @!p0 s3, s7;
	s7 =	simm.s32 @!p0 $0x108  }
0x21: {  	s3 =	sadd.s32 s3, s9;
	s6 =	sadd.s32 @!p0 $0x88, s6;
	s7 =	simm.s32 @p2 $0x1082  }
0x22: {  	[simem:s7], [sflag:s8] =	dma.local @!p0 [hbm:s6], $0xF7A  }
0x23: {  	s9 =	sor.u32 $0xD0000000, s2;
	s6 =	simm.s32 $0x108;
	_ =	swait.ge @!p0 [sflag:s8], $0x0  }
0x24: {  	s3 =	sadd.s32 $0x88, s3;
	s6 =	simm.s32 @!p1 $0x1082;
	[sflag:s4] =	ssyncset.s32 $0xFFFFF086  }
0x25: {  	[simem:s6], [sflag:s4] =	dma.local [hbm:s3], $0xF7A  }
0x26: {  	[smem:$0x3F9E] =	sst s1;
	(tag) =	ssettag s2;
	_ =	strace s9  }
0x27: {  	s1 =	sld [smem:$0x3FAE]  }
0x28: {  	s2 =	sld [smem:$0x3FAF]  }
0x29: {  	s4 =	sld [smem:$0x3FB1]  }
0x2a: {  	p0 =	seq.s32 s5, $0x0;
	s5 =	sld [smem:$0x3FB2]  }
0x2b: {  	s6 =	sld [smem:$0x3FB3]  }
0x2c: {  	s7 =	sld [smem:$0x3FB4]  }
0x2d: {  	s3 =	simm.s32 $0x108;
	s8 =	sld [smem:$0x3FB5]  }
0x2e: {  	s3 =	simm.s32 @!p0 $0x1082;
	s9 =	sld [smem:$0x3FB6]  }
0x2f: {  	lr =	sadd.s32 s0, s3;
	s0 =	sld [smem:$0x3FAD]  }
0x30: {  	s3 =	sld [smem:$0x3FB0]  }
0x31: {  	[smem:$0x3FB9] =	sst s10  }
0x32: {  	s10 =	sld [smem:$0x3FB7];
	_ =	sdelay $0x3  }
0x33: {  	p0 =	seq.s32 s10, $0x1;
	s10 =	sld [smem:$0x3FB9];
	_ =	sdelay $0x3  }
0x34: {  	[smem:$0x3FB9] =	sst s10  }
0x35: {  	s10 =	sld [smem:$0x3FB8];
	_ =	sdelay $0x3  }
0x36: {  	p1 =	seq.s32 s10, $0x1;
	s10 =	sld [smem:$0x3FB9];
	_ =	sdelay $0x3  }
0x37: {  	[smem:$0x3FB9] =	sst s10  }
0x38: {  	s10 =	sld [smem:$0x3FBA]  }
0x39: {  	_ = 	snop;
	(pc) =	sbr.ind lr, $3  }
0x3a: {  	_ = 	snop  }
0x3b: {  	_ = 	snop  }
0x3c: {  	p2 =	seq.s32 s10, $0x1;
	s10 =	sld [smem:$0x3FB9]  }
0x3d: {  	_ =	shalt  }
0x3e: {  	_ =	shalt  }
0x3f: {  	_ =	shalt  }
0x40: {  	_ =	shalt  }
0x41: {  	_ =	shalt  }
0x42: {  	_ =	shalt  }
0x43: {  	_ =	shalt  }
0x44: {  	_ =	shalt  }
0x45: {  	_ =	shalt  }
0x46: {  	_ =	shalt  }
0x47: {  	_ =	shalt  }
0x48: {  	_ =	shalt  }
0x49: {  	_ =	shalt  }
0x4a: {  	_ =	shalt  }
0x4b: {  	_ =	shalt  }
0x4c: {  	_ =	shalt  }
0x4d: {  	_ =	shalt  }
0x4e: {  	_ =	shalt  }
0x4f: {  	_ =	shalt  }
0x50: {  	_ =	shalt  }
0x51: {  	_ =	shalt  }
0x52: {  	_ =	shalt  }
0x53: {  	_ =	shalt  }
0x54: {  	_ =	shalt  }
0x55: {  	_ =	shalt  }
0x56: {  	_ =	shalt  }
0x57: {  	_ =	shalt  }
0x58: {  	_ =	shalt  }
0x59: {  	_ =	shalt  }
0x5a: {  	_ =	shalt  }
0x5b: {  	_ =	shalt  }
0x5c: {  	_ =	shalt  }
0x5d: {  	_ =	shalt  }
0x5e: {  	_ =	shalt  }
0x5f: {  	_ =	shalt  }
0x60: {  	_ =	shalt  }
0x61: {  	_ =	shalt  }
0x62: {  	_ =	shalt  }
0x63: {  	_ =	shalt  }
0x64: {  	_ =	shalt  }
0x65: {  	_ =	shalt  }
0x66: {  	_ =	shalt  }
0x67: {  	_ =	shalt  }
0x68: {  	_ =	shalt  }
0x69: {  	_ =	shalt  }
0x6a: {  	_ =	shalt  }
0x6b: {  	_ =	shalt  }
0x6c: {  	_ =	shalt  }
0x6d: {  	_ =	shalt  }
0x6e: {  	_ =	shalt  }
0x6f: {  	_ =	shalt  }
0x70: {  	_ =	shalt  }
0x71: {  	_ =	shalt  }
0x72: {  	_ =	shalt  }
0x73: {  	_ =	shalt  }
0x74: {  	_ =	shalt  }
0x75: {  	_ =	shalt  }
0x76: {  	_ =	shalt  }
0x77: {  	_ =	shalt  }
0x78: {  	_ =	shalt  }
0x79: {  	_ =	shalt  }
0x7a: {  	_ =	shalt  }
0x7b: {  	_ =	shalt  }
0x7c: {  	_ =	shalt  }
0x7d: {  	_ =	shalt  }
0x7e: {  	_ =	shalt  }
0x7f: {  	_ =	shalt  }
0x80: {  	_ =	shalt  }
0x81: {  	_ =	shalt  }
0x82: {  	_ =	shalt  }
0x83: {  	_ =	shalt  }
0x84: {  	_ =	shalt  }
0x85: {  	_ =	shalt  }
0x86: {  	_ =	shalt  }
0x87: {  	_ =	shalt  }
.Lfunc_end0:
.L_simem_size_0:
called_computation.1_lowered:
.L_overlay_start_0:
0x88: {  	s2 =	sld [smem:$0x3FD9]  }
0x89: {  	s3 =	sld [smem:$0x3FFE];
	_ =	sdelay $0x1  }
0x8a: {  	s1 =	srdreg.scid  }
0x8b: {  	s0 =	sand.u32 $0x1, s1  }
0x8c: {  	s14 =	sshll.u32 s0, $0xA;
	s2 =	sadd.s32 s3, s2  }
0x8d: {  	s2 =	sadd.s32 s2, s14  }
0x8e: {  	[smem:$0x3FC5] =	sst s2  }
0x8f: {  	_ = 	snop  }
0x90: {  	s2 =	sld [smem:$0x3FD0];
	_ =	sdelay $0x2  }
0x91: {  	s4 =	simm.s32 $0xA;
	s5 =	simm.s32 $0x10;
	s15 =	sld [smem:$0x3FC9]  }
0x92: {  	[smem:s5], [sflag:s4] =	dma.local [hbm:s2], $0x1  }
0x93: {  	_ =	swait.eq [sflag:s4], $0x1  }
0x94: {  	[sflag:s4] =	ssyncset.done $0x0  }
0x95: {  	[sflag:s4] =	ssyncadd.s32 $0xFFFFFFFF  }
0x96: {  	s16 =	sld [smem:$0x10];
	(tm) =	ssettm $0x1  }
0x97: {  	s17 =	sld [smem:$0x3FFB];
	_ =	sdelay $0x3  }
0x98: {  	_ =	strace s17  }
0x99: {  	s4 =	sld [smem:$0x3FFC];
	_ =	sdelay $0x3  }
0x9a: {  	_ =	strace s4  }
0x9b: {  	s4 =	sld [smem:$0x3FFD];
	_ =	sdelay $0x3  }
0x9c: {  	_ =	strace s4  }
0x9d: {  	_ =	strace $0x8FFFFFFF  }
0x9e: {  	s18 =	sld [smem:$0x3FDB];
	_ =	sdelay $0x1  }
0x9f: {  	s19 =	simm.s32 $_scs_section_size  }
0xa0: {  	s6 =	simm.s32 $_size__tile_overlayer_lowered;
	s7 =	simm.s32 $_tile_overlayer_lowered  }
0xa1: {  	s22 =	simm.s32 $0x1BFF;
	s21 =	sshll.u32 s7, $0x1;
	s4 =	sadd.s32 s19, s18  }
0xa2: {  	s8 =	simm.s32 $0x0;
	s20 =	sshll.u32 s6, $0x1;
	s6 =	sadd.s32 s21, s4  }
0xa3: {  	[timem:s8], [sflag:s22] =	dma.local [hbm:s6], s20  }
0xa4: {  	_ =	swait.ge [sflag:s22], s20  }
0xa5: {  	s5 =	ssub.s32 $0x0, s20;
	[sflag:s22] =	ssyncset.done $0x0  }
0xa6: {  	[sflag:s22] =	ssyncadd.s32 s5;
	_ =	sdelay $0x1  }
0xa7: {  	s23 =	simm.s32 $0x1B8B  }
0xa8: {  	_ =	swait.ge [sflag:s23], $0x1  }
0xa9: {  	[sflag:s23] =	ssyncset.done $0x0  }
0xaa: {  	s25 =	simm.s32 $0x1B8E;
	s24 =	sld [smem:$0x3FFE];
	[sflag:s23] =	ssyncadd.s32 $0xFFFFFFFF  }
0xab: {  	s26 =	simm.s32 $execute0_lowered;
	[smem:$0x3FD2] =	sst s25  }
0xac: {  	s6 =	sshll.u32 s26, $0x1;
	_ =	strace $0x80000046;
	[dreg:$0x1] =	wrdreg $0xFFFFFFFF  }
0xad: {  	s28 =	simm.s32 $_size_execute0_lowered;
	s4 =	sadd.s32 s4, s6;
	[dreg:$0x0] =	wrdreg $0x0  }
0xae: {  	s6 =	sshll.u32 s28, $0x1;
	[dreg:$0x2] =	wrdreg s4  }
0xaf: {  	[dreg:$0x3] =	wrdreg s6  }
0xb0: {  	[dreg:$0x4] =	wrdreg $0xC0  }
0xb1: {  	_ =	task [dreg:s8], $0x5FFFF  }
0xb2: {  	[dreg:$0x1] =	wrdreg $0xFFFFFFFF  }
0xb3: {  	[dreg:$0x0] =	wrdreg $0x60  }
0xb4: {  	[dreg:$0x2] =	wrdreg s15  }
0xb5: {  	[dreg:$0x3] =	wrdreg s24  }
0xb6: {  	[dreg:$0x4] =	wrdreg s16  }
0xb7: {  	[dreg:$0x5] =	wrdreg $0x9  }
0xb8: {  	_ =	task.clear_ibuf [dreg:s8], $0x6FFFF;
	_ =	strace $0x90000046  }
0xb9: {  	s29 =	simm.s32 $0x9;
	_ =	strace $0x80000048  }
0xba: {  	_ =	swait.ge [sflag:s29], $0x1  }
0xbb: {  	[sflag:s29] =	ssyncadd.s32 $0xFFFFFFFF  }
0xbc: {  	_ =	strace $0x90000048  }
0xbd: {  	_ =	sfence  }
0xbe: {  	s30 =	sld [smem:$0x0];
	_ =	sdelay $0x2  }
0xbf: {  	s31 =	sshll.u32 s1, $0xD;
	s1 =	sshrl.u32 s1, $0x2  }
0xc0: {  	s3 =	sand.u32 $0x4000, s31;
	s1 =	sadd.s32 s1, s30  }
0xc1: {  	s0 =	sor.u32 s3, s0;
	s1 =	sshll.u32 s1, $0x11  }
0xc2: {  	s0 =	sor.u32 s1, s0  }
0xc3: {  	s0 =	sadd.s32 $0x8F2B, s0  }
0xc4: {  	[sflag:s0] =	ssyncadd.remote.s32 $0x1  }
0xc5: {  	_ =	sfence.sel $0xFFFF  }
0xc6: {  	[dreg:$0x0] =	wrdreg $0xFFFFFFFF;
	(pc) =	sbr.abs _section_cstart, $3  }
0xc7: {  	[dreg:$0x1] =	wrdreg $0xFFFFFFFF  }
0xc8: {  	_ =	task.clear_ibuf [dreg:s8], $0x2FFFF;
	_ =	strace $0x9FFFFFFF  }
0xc9: {  	(tm) =	ssettm $0x7FFFFFFF  }
tec
execute0_lowered:
.L_overlay_start_1:
0x0: {  	(tag) =	ssettag $0x1  }
0x1: {  	s4 =	rddreg [dreg:$0x0]  }
0x2: {  	s3 =	rddreg [dreg:$0x1]  }
0x3: {  	s6 =	rddreg [dreg:$0x2]  }
0x4: {  	s0 =	rddreg [dreg:$0x3];
	s5 =	srdreg.scid  }
0x5: {  	s2 =	simm.s32 $0x0;
	s1 =	stileid.u32;
	s10 =	simm.s32 $0x1  }
0x6: {  	s11 =	simm.s32 $0x0;
	s7 =	sand.u32 $0x1, s5;
	[smem:$0x7FF] =	sst s2  }
0x7: {  	s29 =	sshll.u32 s1, $0xF;
	s3 =	sadd.s32 $0xA00, s3;
	s31 =	sshll.u32 s1, $0x12  }
0x8: {  	s8 =	sshll.u32 s7, $0xE;
	_ =	strace $0x80000047;
	s9 =	ssub.s32 $0x2, s7  }
0x9: {  	s6 =	sadd.s32 s31, s6;
	s7 =	sshll.u32 s7, $0x11;
	s5 =	sor.u32 s8, s29  }
0xa: {  	s30 =	sshrl.u32 s9, $0x1;
	s6 =	sadd.s32 s7, s6;
	s7 =	simm.s32 $0x2  }
0xb: {  	s5 =	sshrl.u32 s5, $0x3;
	s8 =	ssub.s32 s9, s30;
	s9 =	simm.s32 $0x4000  }
0xc: {  	s4 =	sadd.s32 s4, s5;
	s5 =	smax.u32 s8, $0x1;
	s8 =	simm.s32 $0x80  }
.LBB2_1:
0xd: {  	[tilespmem:s2], [sflag:$0x2] =	stream.linear.gather [hbm4b:s4+s2], $0x4000, $0x38;
	[tilespmem:$0x6000] =	vst v63  }
0xe: {  	_ =	swait.ge [sflag:s7], $0x4000  }
0xf: {  	[sflag:s7] =	ssyncset.done $0x0  }
0x10: {  	s12 =	simm.s32 $0x0;
	[sflag:s7] =	ssyncadd.s32 $0xFFFFC000  }
0x11: {  	[tilespmem:s9], [sflag:$0x1] =	stream.indirect.gather [hbm4b:s3+s8], $0x40, s12, s8, $0xb8;
	[tilespmem:$0x6000] =	vst v63  }
0x12: {  	_ =	swait.ge [sflag:s10], $0x2000  }
0x13: {  	[sflag:s10] =	ssyncset.done $0x0  }
0x14: {  	[sflag:s10] =	ssyncadd.s32 $0xFFFFE000  }
0x15: {  	[hbm4b:s6+s2] =	stream.linear.scatter [tilespmem:s9], [sflag:$0x2], $0x2000, $0x38;
	[tilespmem:$0x6000] =	vst v63  }
0x16: {  	s13 =	simm.s32 $0x200;
	_ =	swait.ge [sflag:s7], $0x2000  }
0x17: {  	s14 =	simm.s32 $0x400;
	s12 =	sadd.s32 $0x400, s6;
	[sflag:s7] =	ssyncset.done $0x0  }
.LBB2_2:
0x18: {  	s15 =	sshra.s32 s13, $0x2  }
0x19: {  	[sflag:s7] =	ssyncadd.s32 $0xFFFFE000;
	s13 =	smov.u32 s14;
	s16 =	sadd.s32 $0x200, s14  }
0x1a: {  	[tilespmem:s9], [sflag:$0x1] =	stream.indirect.gather [hbm4b:s3+s8], $0x40, s15, s8, $0xb8;
	[tilespmem:$0x6000] =	vst v63  }
0x1b: {  	p0 =	sne.s32 s14, $0xFE00;
	_ =	swait.ge [sflag:s10], $0x2000  }
.Ltmp0:
0x1c: {  	[sflag:s10] =	ssyncset.done $0x0;
	(pc) =	sbr.rel @p0 .LBB2_2-.Ltmp0, $4  }
0x1d: {  	[sflag:s10] =	ssyncadd.s32 $0xFFFFE000  }
0x1e: {  	[hbm4b:s12+s2] =	stream.linear.scatter [tilespmem:s9], [sflag:$0x2], $0x2000, $0x38;
	[tilespmem:$0x6000] =	vst v63  }
0x1f: {  	_ =	swait.ge [sflag:s7], $0x2000  }
0x20: {  	s14 =	smov.u32 s16;
	s12 =	sadd.s32 $0x400, s12;
	[sflag:s7] =	ssyncset.done $0x0  }
0x21: {  	s13 =	sshra.s32 s13, $0x2;
	[sflag:s7] =	ssyncadd.s32 $0xFFFFE000  }
0x22: {  	[tilespmem:s9], [sflag:$0x1] =	stream.indirect.gather [hbm4b:s3+s8], $0x40, s13, s8, $0xb8;
	[tilespmem:$0x6000] =	vst v63  }
0x23: {  	s11 =	sadd.s32 $0x1, s11;
	_ =	swait.ge [sflag:s10], $0x2000  }
0x24: {  	p0 =	sne.s32 s11, s5;
	[sflag:s10] =	ssyncset.done $0x0  }
.Ltmp1:
0x25: {  	[sflag:s10] =	ssyncadd.s32 $0xFFFFE000;
	(pc) =	sbr.rel @p0 .LBB2_1-.Ltmp1, $4  }
0x26: {  	[hbm4b:s12+s2] =	stream.linear.scatter [tilespmem:s9], [sflag:$0x2], $0x2000, $0x38;
	[tilespmem:$0x6000] =	vst v63  }
0x27: {  	_ =	swait.ge [sflag:s7], $0x2000  }
0x28: {  	[sflag:s7] =	ssyncset.done $0x0  }
0x29: {  	[sflag:s7] =	ssyncadd.s32 $0xFFFFE000  }
0x2a: {  	_ =	sfence.sel $0x180000  }
0x2b: {  	[bflag:$0x0] =	sbarrier.arrive $0xFFFF  }
0x2c: {  	p0 =	sne.s32 s1, $0x0;
	_ =	strace $0x90000047  }
0x2d: {  	s0 =	sadd.s32 @!p0 $0x100000, s0;
	[bflag:$0x2] =	sbarrier.arrive $0xFFFF  }
0x2e: {  	[sflag:s0] =	ssyncadd.tile.s32 @!p0 $0x1;
	_ =	shalt  }
.Lfunc_end2:
_tile_overlayer_lowered:
.L_overlay_start_2:
0x2f: {  	(tag) =	ssettag $0x2  }
0x30: {  	s0 =	rddreg [dreg:$0x0];
	s2 =	stileid.u32  }
0x31: {  	s1 =	rddreg [dreg:$0x1];
	p0 =	sne.s32 s2, $0x0  }
0x32: {  	s3 =	rddreg [dreg:$0x2];
	[bflag:$0x3] =	sbarrier.arrive $0xFFFF;
	s2 =	simm.s32 @!p0 $0x1C02  }
0x33: {  	[timem:s3], [sflag:s2] =	dma.local @!p0 [hbm:s0], s1  }
0x34: {  	s0 =	simm.s32 @!p0 $0x2  }
0x35: {  	_ =	swait.ge @!p0 [sflag:s0], s1  }
0x36: {  	s1 =	ssub.s32 @!p0 $0x0, s1;
	[sflag:s0] =	ssyncset.done @!p0 $0x0  }
0x37: {  	[sflag:s0] =	ssyncadd.s32 @!p0 s1  }
0x38: {  	[bflag:$0x3] =	sbarrier.arrive $0xFFFF  }
0x39: {  	_ =	shalt  }

// kernel: sparse-core-data-format-call.cloned.1.call-start
scs
called_computation_lowered:
.L_overlay_start_0:
0x0: {  	s2 =	sld [smem:$0x3FD9]  }
0x1: {  	s3 =	sld [smem:$0x3FFE];
	_ =	sdelay $0x1  }
0x2: {  	s1 =	srdreg.scid  }
0x3: {  	s0 =	sand.u32 $0x1, s1  }
0x4: {  	s15 =	sshll.u32 s0, $0xA;
	s2 =	sadd.s32 s3, s2  }
0x5: {  	s2 =	sadd.s32 s2, s15  }
0x6: {  	[smem:$0x3FC5] =	sst s2  }
0x7: {  	_ = 	snop  }
0x8: {  	s2 =	sld [smem:$0x3FD0];
	_ =	sdelay $0x2  }
0x9: {  	s16 =	simm.s32 $0xA;
	s4 =	simm.s32 $0x10  }
0xa: {  	[smem:s4], [sflag:s16] =	dma.local [hbm:s2], $0x1  }
0xb: {  	_ =	swait.eq [sflag:s16], $0x1  }
0xc: {  	[sflag:s16] =	ssyncset.done $0x0  }
0xd: {  	[sflag:s16] =	ssyncadd.s32 $0xFFFFFFFF  }
0xe: {  	s17 =	sld [smem:$0x10];
	(tm) =	ssettm $0x1  }
0xf: {  	s18 =	sld [smem:$0x3FFB];
	_ =	sdelay $0x3  }
0x10: {  	_ =	strace s18  }
0x11: {  	s3 =	sld [smem:$0x3FFC];
	_ =	sdelay $0x3  }
0x12: {  	_ =	strace s3  }
0x13: {  	s3 =	sld [smem:$0x3FFD];
	_ =	sdelay $0x3  }
0x14: {  	_ =	strace s3  }
0x15: {  	_ =	strace $0x8FFFFFFF  }
0x16: {  	s19 =	sld [smem:$0x3FDB];
	_ =	sdelay $0x1  }
0x17: {  	s20 =	simm.s32 $_scs_section_size  }
0x18: {  	s5 =	simm.s32 $_size__tile_overlayer_lowered;
	s6 =	simm.s32 $_tile_overlayer_lowered  }
0x19: {  	s23 =	simm.s32 $0x1BFF;
	s22 =	sshll.u32 s6, $0x1;
	s3 =	sadd.s32 s20, s19  }
0x1a: {  	s7 =	simm.s32 $0x0;
	s21 =	sshll.u32 s5, $0x1;
	s5 =	sadd.s32 s22, s3  }
0x1b: {  	[timem:s7], [sflag:s23] =	dma.local [hbm:s5], s21  }
0x1c: {  	_ =	swait.ge [sflag:s23], s21  }
0x1d: {  	s4 =	ssub.s32 $0x0, s21;
	[sflag:s23] =	ssyncset.done $0x0  }
0x1e: {  	[sflag:s23] =	ssyncadd.s32 s4;
	_ =	sdelay $0x1  }
0x1f: {  	s24 =	simm.s32 $0x1B8B  }
0x20: {  	_ =	swait.ge [sflag:s24], $0x1  }
0x21: {  	[sflag:s24] =	ssyncset.done $0x0  }
0x22: {  	s26 =	simm.s32 $0x1B8E;
	s25 =	sld [smem:$0x3FFE];
	[sflag:s24] =	ssyncadd.s32 $0xFFFFFFFF  }
0x23: {  	s27 =	simm.s32 $execute0_lowered;
	[smem:$0x3FD2] =	sst s26  }
0x24: {  	s5 =	sshll.u32 s27, $0x1;
	_ =	strace $0x80000049;
	[dreg:$0x1] =	wrdreg $0xFFFFFFFF  }
0x25: {  	s28 =	simm.s32 $_size_execute0_lowered;
	s3 =	sadd.s32 s3, s5;
	[dreg:$0x0] =	wrdreg $0x0  }
0x26: {  	s5 =	sshll.u32 s28, $0x1;
	[dreg:$0x2] =	wrdreg s3  }
0x27: {  	[dreg:$0x3] =	wrdreg s5  }
0x28: {  	[dreg:$0x4] =	wrdreg $0xC0  }
0x29: {  	_ =	task [dreg:s7], $0x5FFFF  }
0x2a: {  	[dreg:$0x1] =	wrdreg $0xFFFFFFFF  }
0x2b: {  	[dreg:$0x0] =	wrdreg $0x60  }
0x2c: {  	[dreg:$0x2] =	wrdreg s25  }
0x2d: {  	[dreg:$0x3] =	wrdreg s17  }
0x2e: {  	[dreg:$0x4] =	wrdreg $0x9  }
0x2f: {  	_ =	task.clear_ibuf [dreg:s7], $0x5FFFF;
	_ =	strace $0x90000049  }
0x30: {  	s29 =	simm.s32 $0x9;
	_ =	strace $0x8000004B  }
0x31: {  	_ =	swait.ge [sflag:s29], $0x1  }
0x32: {  	[sflag:s29] =	ssyncadd.s32 $0xFFFFFFFF  }
0x33: {  	_ =	strace $0x9000004B  }
0x34: {  	_ =	sfence  }
0x35: {  	s30 =	sld [smem:$0x0];
	_ =	sdelay $0x2  }
0x36: {  	s31 =	sshll.u32 s1, $0xD;
	s1 =	sshrl.u32 s1, $0x2  }
0x37: {  	s3 =	sand.u32 $0x4000, s31;
	s1 =	sadd.s32 s1, s30  }
0x38: {  	s0 =	sor.u32 s3, s0;
	s1 =	sshll.u32 s1, $0x11  }
0x39: {  	s0 =	sor.u32 s1, s0  }
0x3a: {  	s0 =	sadd.s32 $0x8F2B, s0  }
0x3b: {  	[sflag:s0] =	ssyncadd.remote.s32 $0x1  }
0x3c: {  	_ =	sfence.sel $0xFFFF  }
0x3d: {  	[dreg:$0x0] =	wrdreg $0xFFFFFFFF;
	(pc) =	sbr.abs _section_cstart, $3  }
0x3e: {  	[dreg:$0x1] =	wrdreg $0xFFFFFFFF  }
0x3f: {  	_ =	task.clear_ibuf [dreg:s7], $0x2FFFF;
	_ =	strace $0x9FFFFFFF  }
0x40: {  	(tm) =	ssettm $0x7FFFFFFF  }
0x41: {  	_ =	shalt  }
tec
execute0_lowered:
.L_overlay_start_1:
0x0: {  	(tag) =	ssettag $0x1  }
0x1: {  	s0 =	srdreg.scid  }
0x2: {  	s1 =	sshll.u32 s0, $0x4  }
0x3: {  	s4 =	rddreg [dreg:$0x0];
	s0 =	stileid.u32;
	s1 =	sand.u32 $0x10, s1  }
0x4: {  	s2 =	rddreg [dreg:$0x1];
	s7 =	simm.s32 $0x1;
	s1 =	sor.u32 s0, s1  }
0x5: {  	s8 =	simm.s32 $0x2;
	s11 =	simm.s32 $0x0;
	s3 =	sshll.u32 s1, $0x1  }
0x6: {  	s10 =	simm.s32 $0x0;
	s4 =	sadd.s32 $0xA00, s4;
	s6 =	ssub.s32 $0x1000, s3  }
.Ltmp0:
0x7: {  	s1 =	rddreg [dreg:$0x2];
	s5 =	sand.u32 $0x3E, s6;
	(pc) =	sbr.rel .LBB1_1-.Ltmp0, $4  }
0x8: {  	_ =	strace $0x8000004A;
	s9 =	smov.u32 s3;
	p0 =	sne.s32 s5, $0x0  }
0x9: {  	s6 =	sshrl.u32 s6, $0x6;
	s5 =	simm.s32 $0x1;
	s7 =	simm.s32 @!p0 $0x0  }
0xa: {  	[sflag:s5] =	ssyncpa.u1 $0x0;
	p0 =	por $0x0, $0x0;
	s6 =	sadd.s32 s7, s6  }
0xb: {  	[sflag:s8] =	ssyncpa.u1 $0x0;
	s8 =	simm.s32 $0x0;
	s7 =	sadd.s32 $0x1, s6  }
.LBB1_7:
0xc: {  	s13 =	sadd.s32 $0x40, s9  }
0xd: {  	p2 =	sgt.s32 s13, $0xFFF  }
0xe: {  	s13 =	smov.u32 @p2 s3;
	p2 =	sne.s32 s10, s7  }
.Ltmp1:
0xf: {  	p1 =	slt.u32 s10, $0x2;
	(pc) =	sbr.rel @!p2 .LBB1_8-.Ltmp1, $4  }
0x10: {  	s12 =	simm.s32 @!p1 $0x2  }
0x11: {  	s14 =	sadd.s32 $0x1, s10;
	_ =	swait.ge @!p1 [sflag:s12], $0x4000  }
0x12: {  	s11 =	smov.u32 s9;
	p0 =	por !p0, !p0;
	[sflag:s12] =	ssyncset.done @!p1 $0x0  }
0x13: {  	s10 =	smov.u32 s14;
	s9 =	smov.u32 s13;
	[sflag:s12] =	ssyncadd.s32 @!p1 $0xFFFFC000  }
.LBB1_1:
0x14: {  	p1 =	sge.u32 s10, s6  }
0x15: {  	s31 =	sadd.s32 $0xFFFFFFFF, s10;
	s12 =	sxor.u32 @!p1 $0xFFFFFFFF, s10  }
0x16: {  	s13 =	sshll.u32 @!p1 s9, $0xB;
	s14 =	simm.s32 @!p1 $0x40;
	s12 =	sshll.u32 @!p1 s12, $0xE  }
0x17: {  	s15 =	simm.s32 @!p1 $0x80;
	s13 =	sadd.s32 @!p1 s4, s13;
	s12 =	sand.u32 @!p1 $0x4000, s12  }
0x18: {  	[tilespmem:s12], [sflag:$0x1] =	stream.strided.gather @!p1 [hbm4b:s13+s14], $0x4000, s15, s14, $0x38;
	[tilespmem:$0x10100] =	vst v63  }
0x19: {  	p1 =	sge.u32 s31, s6  }
.Ltmp2:
0x1a: {  	_ = 	snop;
	(pc) =	sbr.rel @p1 .LBB1_7-.Ltmp2, $1  }
0x1b: {  	_ =	sdelay $0x3  }
0x1c: {  	s12 =	simm.s32 $0x1;
	s14 =	sand.u32 $0x1, s10  }
0x1d: {  	_ =	swait.ge [sflag:s5], $0x4000;
	s12 =	simm.s32 @!p0 $0x0;
	s14 =	smul.u32 $0x10200, s14  }
0x1e: {  	p2 =	por $0x1, $0x1;
	[sflag:s5] =	ssyncset.done $0x0;
	s13 =	smul.u32 $0x10200, s12  }
0x1f: {  	s15 =	sshll.u32 s12, $0x10;
	[sflag:s5] =	ssyncadd.s32 $0xFFFFC000;
	s30 =	sshrl.u32 s14, $0x2  }
0x20: {  	s31 =	sshrl.u32 s15, $0x2;
	s15 =	simm.s32 $0x0;
	s13 =	sshrl.u32 s13, $0x2  }
0x21: {  	s12 =	sor.u32 $0x8000, s30;
	s14 =	sadd.s32 $0x20, s31;
	s13 =	sor.u32 $0x8000, s13  }
.LBB1_3:
0x22: {  	s16 =	sshll.u32 s15, $0xD  }
0x23: {  	s16 =	sand.u32 $0x3FFFE000, s16  }
0x24: {  	s18 =	sadd.s32 s16, s14  }
0x25: {  	s31 =	smul.u32 $0x8100, s15;
	v3 =	vld [tilespmem:s18+$0x10]  }
0x26: {  	v1 =	vld [tilespmem:s18+$0xFFFFFFF0]  }
0x27: {  	s15 =	sshra.s32 s31, $0x2;
	v0 =	vld [tilespmem:s18+$0x0]  }
0x28: {  	s15 =	sadd.s32 s15, s13;
	v2 =	vld [tilespmem:s18+$0xFFFFFFE0]  }
0x29: {  	s16 =	sadd.s32 $0x0, s15  }
0x2a: {  	p1 =	por p2, p2;
	s17 =	simm.s32 $0x4;
	s18 =	sadd.s32 $0x40, s18;
	[tilespmem:s16+$0x1830 ss:$0x81] =	vst.msk $0xffff, v3  }
.LBB1_4:
0x2b: {  	v3 =	vld [tilespmem:s18+$0x10];
	p2 =	sne.s32 s17, $0x1FC;
	[tilespmem:s16+$0x810 ss:$0x81] =	vst.msk $0xffff, v1;
	s19 =	smov.u32 s17;
	s17 =	sadd.s32 $0x4, s17  }
.Ltmp3:
0x2c: {  	v1 =	vld [tilespmem:s18+$0xFFFFFFF0];
	[tilespmem:s16+$0x1020 ss:$0x81] =	vst.msk $0xffff, v0;
	(pc) =	sbr.rel @p2 .LBB1_4-.Ltmp3, $4  }
0x2d: {  	v0 =	vld [tilespmem:s18+$0x0];
	[tilespmem:s16+$0x0 ss:$0x81] =	vst.msk $0xffff, v2  }
0x2e: {  	s16 =	sshra.s32 s19, $0x2;
	v2 =	vld [tilespmem:s18+$0xFFFFFFE0]  }
0x2f: {  	s16 =	sadd.s32 s16, s15  }
0x30: {  	s18 =	sadd.s32 $0x40, s18;
	[tilespmem:s16+$0x1830 ss:$0x81] =	vst.msk $0xffff, v3  }
.Ltmp4:
0x31: {  	(pc) =	sbr.rel @p1 .LBB1_3-.Ltmp4, $4  }
0x32: {  	_ = 	snop  }
0x33: {  	[tilespmem:s16+$0x810 ss:$0x81] =	vst.msk $0xffff, v1  }
0x34: {  	[tilespmem:s16+$0x1020 ss:$0x81] =	vst.msk $0xffff, v0  }
0x35: {  	s15 =	simm.s32 $0x1;
	p2 =	por $0x0, $0x0;
	[tilespmem:s16+$0x0 ss:$0x81] =	vst.msk $0xffff, v2  }
.Ltmp5:
0x36: {  	(pc) =	sbr.rel .LBB1_7-.Ltmp5, $4  }
0x37: {  	_ = 	snop  }
0x38: {  	s11 =	sshll.u32 s11, $0xA  }
0x39: {  	s11 =	sadd.s32 s2, s11  }
0x3a: {  	[hbm4b:s11+s8] =	stream.linear.scatter [tilespmem:s12], [sflag:$0x2], $0x4000, $0x20;
	[tilespmem:$0x10100] =	vst v63  }
.LBB1_8:
0x3b: {  	_ =	sfence.sel $0x180000  }
0x3c: {  	s2 =	simm.s32 $0x1;
	[bflag:$0x0] =	sbarrier.arrive $0xFFFF  }
0x3d: {  	s31 =	simm.s32 $0x2;
	[sflag:s2] =	ssyncpa.u1 $0x1  }
0x3e: {  	[sflag:s31] =	ssyncpa.u1 $0x1  }
0x3f: {  	p0 =	sne.s32 s0, $0x0;
	_ =	strace $0x9000004A  }
0x40: {  	s0 =	sadd.s32 @!p0 $0x100000, s1;
	[bflag:$0x2] =	sbarrier.arrive $0xFFFF  }
0x41: {  	[sflag:s0] =	ssyncadd.tile.s32 @!p0 $0x1;
	_ =	shalt  }
.Lfunc_end1:
_tile_overlayer_lowered:
.L_overlay_start_2:
0x42: {  	(tag) =	ssettag $0x2  }
0x43: {  	s0 =	rddreg [dreg:$0x0];
	s2 =	stileid.u32  }
0x44: {  	s1 =	rddreg [dreg:$0x1];
	p0 =	sne.s32 s2, $0x0  }
0x45: {  	s3 =	rddreg [dreg:$0x2];
	[bflag:$0x3] =	sbarrier.arrive $0xFFFF;
	s2 =	simm.s32 @!p0 $0x1C01  }
0x46: {  	[timem:s3], [sflag:s2] =	dma.local @!p0 [hbm:s0], s1  }
0x47: {  	s0 =	simm.s32 @!p0 $0x1  }
0x48: {  	_ =	swait.ge @!p0 [sflag:s0], s1  }
0x49: {  	s1 =	ssub.s32 @!p0 $0x0, s1;
	[sflag:s0] =	ssyncset.done @!p0 $0x0  }
0x4a: {  	[sflag:s0] =	ssyncadd.s32 @!p0 s1  }
0x4b: {  	[bflag:$0x3] =	sbarrier.arrive $0xFFFF  }
0x4c: {  	_ =	shalt  }

</sc_bundles>
